<compile_context>
chip_gen: v7x
topology: tpu7x:2x2x1
jax: 0.10.2.dev20260603
libtpu: 0.0.44.dev20260713+nightly
codegen_flags: <defaults>
</compile_context>

<pallas_src>
import jax
import jax.numpy as jnp
from jax.experimental import pallas as pl

B, T, N, C = 4, 16, 512, 7
GEOM, AUX, K = 3, 4, 20
DM, NH, DH, FF, NC = 1024, 4, 256, 2048, 12


def _ln(x, g, b, eps=1e-5):
    mu = jnp.mean(x, -1, keepdims=True)
    v = jnp.mean((x - mu) ** 2, -1, keepdims=True)
    return (x - mu) / jnp.sqrt(v + eps) * g + b


def _head_kernel(feat_ref, w0, b0, w1, b1, w2, b2, w3, b3, out_ref):
    h = feat_ref[...]
    h = jnp.maximum(jnp.dot(h, w0[...], preferred_element_type=jnp.float32) + b0[...], 0.0)
    h = jnp.maximum(jnp.dot(h, w1[...], preferred_element_type=jnp.float32) + b1[...], 0.0)
    h = jnp.maximum(jnp.dot(h, w2[...], preferred_element_type=jnp.float32) + b2[...], 0.0)
    out_ref[...] = jnp.dot(h, w3[...], preferred_element_type=jnp.float32) + b3[...]


def kernel(data, params):
    frames = B * T
    geom = data[..., :GEOM].reshape(frames * N, GEOM)
    aux = data[..., GEOM:GEOM + AUX].reshape(frames * N, AUX)
    x = geom
    xs = []
    eye = jnp.eye(N, dtype=jnp.float32) * 1e10
    offs = (jnp.arange(frames) * N)[:, None, None]
    base = jnp.arange(N)[None, :, None]
    for lp in params['edge']:
        g = x.reshape(frames, N, x.shape[-1])
        sq = jnp.sum(g * g, -1)
        d2 = sq[:, :, None] + sq[:, None, :] - 2.0 * jnp.einsum('fnd,fmd->fnm', g, g)
        d2 = d2 + eye[None]
        _, nbr = jax.lax.top_k(-d2, K)
        tgt = jnp.broadcast_to(offs + base, nbr.shape).reshape(-1)
        src = (offs + nbr).reshape(-1)
        xi = x[tgt]
        xj = x[src]
        eg = jnp.concatenate([xi, xj - xi], 1)
        ea = jnp.concatenate([aux[tgt], aux[src]], 1)
        h = jax.nn.relu(eg @ lp['eW1'] + lp['eb1'])
        h = jax.nn.relu(h @ lp['eW2'] + lp['eb2'])
        gb = jax.nn.relu(ea @ lp['aW1'] + lp['ab1']) @ lp['aW2'] + lp['ab2']
        d = gb.shape[-1] // 2
        mod = jax.nn.sigmoid(gb[:, :d] + 1.0) * h + gb[:, d:]
        out = jnp.max(mod.reshape(frames * N, K, -1), axis=1)
        x = jax.nn.relu(_ln(out, lp['ln_g'], lp['ln_b']))
        xs.append(x)
    x_cat = jnp.concatenate(xs, 1)
    x_lin = jax.nn.relu(x_cat @ params['lin1_W'] + params['lin1_b'])
    pooled = jnp.max(x_lin.reshape(frames, N, DM), axis=1).reshape(B, T, DM)
    seq = pooled + params['pos'][:, :T, :]
    tf = params['tf']
    q = (seq @ tf['Wq'] + tf['bq']).reshape(B, T, NH, DH).transpose(0, 2, 1, 3)
    k = (seq @ tf['Wk'] + tf['bk']).reshape(B, T, NH, DH).transpose(0, 2, 1, 3)
    v = (seq @ tf['Wv'] + tf['bv']).reshape(B, T, NH, DH).transpose(0, 2, 1, 3)
    att = jax.nn.softmax(jnp.einsum('bhqd,bhkd->bhqk', q, k) / jnp.sqrt(float(DH)), -1)
    ctx = jnp.einsum('bhqk,bhkd->bhqd', att, v).transpose(0, 2, 1, 3).reshape(B, T, DM)
    y = _ln(seq + ctx @ tf['Wo'] + tf['bo'], tf['ln1_g'], tf['ln1_b'])
    ff = jax.nn.relu(y @ tf['W1'] + tf['b1']) @ tf['W2'] + tf['b2']
    y = _ln(y + ff, tf['ln2_g'], tf['ln2_b'])
    feat = jnp.mean(y, 1)
    head = params['head']
    out = pl.pallas_call(
        _head_kernel,
        out_shape=jax.ShapeDtypeStruct((B, NC), jnp.float32),
    )(feat, head[0]['W'], head[0]['b'], head[1]['W'], head[1]['b'],
      head[2]['W'], head[2]['b'], head[3]['W'], head[3]['b'])
    return out

# --- scband reference (transcript-rebuilt; emitter-appended) ---
"""Pipeline reference for scband-dgcnnaux-fusion-t-25125558681937 (READ-ONLY COPY).

The authoritative reference and input builder live on the scoring server;
editing this copy changes nothing except your own understanding.
"""

import jax, jax.numpy as jnp
import numpy as np

B, T, N, C = 4, 16, 512, 7
GEOM, AUX, K = 3, 4, 20
CONV = [32, 32, 32]
DM, NH, DH, FF, NC = 1024, 4, 256, 2048, 12


def _w(key, i, shape, scale=0.02):
    return scale * jax.random.normal(jax.random.fold_in(key, i), shape, dtype=jnp.float32)


def setup_inputs(seed: int = 0):
    key = jax.random.key(seed)
    data = jax.random.normal(jax.random.fold_in(key, 0), (B, T, N, C), dtype=jnp.float32)
    edge = []
    in_d = GEOM
    c = 100
    for out_d in CONV:
        edge.append({
            'eW1': _w(key, c, (2 * in_d, out_d)), 'eb1': jnp.zeros((out_d,), jnp.float32),
            'eW2': _w(key, c + 1, (out_d, out_d)), 'eb2': jnp.zeros((out_d,), jnp.float32),
            'aW1': _w(key, c + 2, (2 * AUX, 64)), 'ab1': jnp.zeros((64,), jnp.float32),
            'aW2': _w(key, c + 3, (64, 2 * out_d)), 'ab2': jnp.zeros((2 * out_d,), jnp.float32),
            'ln_g': jnp.ones((out_d,), jnp.float32), 'ln_b': jnp.zeros((out_d,), jnp.float32)})
        c += 10
        in_d = out_d
    tf = {'Wq': _w(key, 210, (DM, DM)), 'bq': jnp.zeros((DM,), jnp.float32),
          'Wk': _w(key, 211, (DM, DM)), 'bk': jnp.zeros((DM,), jnp.float32),
          'Wv': _w(key, 212, (DM, DM)), 'bv': jnp.zeros((DM,), jnp.float32),
          'Wo': _w(key, 213, (DM, DM)), 'bo': jnp.zeros((DM,), jnp.float32),
          'ln1_g': jnp.ones((DM,), jnp.float32), 'ln1_b': jnp.zeros((DM,), jnp.float32),
          'W1': _w(key, 214, (DM, FF)), 'b1': jnp.zeros((FF,), jnp.float32),
          'W2': _w(key, 215, (FF, DM)), 'b2': jnp.zeros((DM,), jnp.float32),
          'ln2_g': jnp.ones((DM,), jnp.float32), 'ln2_b': jnp.zeros((DM,), jnp.float32)}
    hd = [1024, 1024, 256, 128, NC]
    head = [{'W': _w(key, 230 + i, (hd[i], hd[i + 1])), 'b': jnp.zeros((hd[i + 1],), jnp.float32)} for i in range(4)]
    params = {'edge': edge,
              'lin1_W': _w(key, 200, (sum(CONV), DM)), 'lin1_b': jnp.zeros((DM,), jnp.float32),
              'pos': _w(key, 201, (1, 64, DM), 1.0), 'tf': tf, 'head': head}
    return {'data': data, 'params': params}


def _ln(x, g, b, eps=1e-5):
    mu = jnp.mean(x, -1, keepdims=True)
    v = jnp.mean((x - mu) ** 2, -1, keepdims=True)
    return (x - mu) / jnp.sqrt(v + eps) * g + b


def _forward(data, params):
    frames = B * T
    geom = data[..., :GEOM].reshape(frames * N, GEOM)
    aux = data[..., GEOM:GEOM + AUX].reshape(frames * N, AUX)
    x = geom
    xs = []
    eye = jnp.eye(N, dtype=jnp.float32) * 1e10
    offs = (jnp.arange(frames) * N)[:, None, None]
    base = jnp.arange(N)[None, :, None]
    for lp in params['edge']:
        g = x.reshape(frames, N, x.shape[-1])
        sq = jnp.sum(g * g, -1)
        d2 = sq[:, :, None] + sq[:, None, :] - 2.0 * jnp.einsum('fnd,fmd->fnm', g, g)
        d2 = d2 + eye[None]
        _, nbr = jax.lax.top_k(-d2, K)
        tgt = jnp.broadcast_to(offs + base, nbr.shape).reshape(-1)
        src = (offs + nbr).reshape(-1)
        xi = x[tgt]
        xj = x[src]
        eg = jnp.concatenate([xi, xj - xi], 1)
        ea = jnp.concatenate([aux[tgt], aux[src]], 1)
        h = jax.nn.relu(eg @ lp['eW1'] + lp['eb1'])
        h = jax.nn.relu(h @ lp['eW2'] + lp['eb2'])
        gb = jax.nn.relu(ea @ lp['aW1'] + lp['ab1']) @ lp['aW2'] + lp['ab2']
        d = gb.shape[-1] // 2
        mod = jax.nn.sigmoid(gb[:, :d] + 1.0) * h + gb[:, d:]
        out = jax.ops.segment_max(mod, tgt, num_segments=frames * N)
        x = jax.nn.relu(_ln(out, lp['ln_g'], lp['ln_b']))
        xs.append(x)
    x_cat = jnp.concatenate(xs, 1)
    x_lin = jax.nn.relu(x_cat @ params['lin1_W'] + params['lin1_b'])
    frame_idx = jnp.repeat(jnp.arange(frames), N)
    pooled = jax.ops.segment_max(x_lin, frame_idx, num_segments=frames).reshape(B, T, DM)
    seq = pooled + params['pos'][:, :T, :]
    tf = params['tf']
    q = (seq @ tf['Wq'] + tf['bq']).reshape(B, T, NH, DH).transpose(0, 2, 1, 3)
    k = (seq @ tf['Wk'] + tf['bk']).reshape(B, T, NH, DH).transpose(0, 2, 1, 3)
    v = (seq @ tf['Wv'] + tf['bv']).reshape(B, T, NH, DH).transpose(0, 2, 1, 3)
    att = jax.nn.softmax(jnp.einsum('bhqd,bhkd->bhqk', q, k) / jnp.sqrt(float(DH)), -1)
    ctx = jnp.einsum('bhqk,bhkd->bhqd', att, v).transpose(0, 2, 1, 3).reshape(B, T, DM)
    y = _ln(seq + ctx @ tf['Wo'] + tf['bo'], tf['ln1_g'], tf['ln1_b'])
    ff = jax.nn.relu(y @ tf['W1'] + tf['b1']) @ tf['W2'] + tf['b2']
    y = _ln(y + ff, tf['ln2_g'], tf['ln2_b'])
    feat = jnp.mean(y, 1)
    h = feat
    for i, hl in enumerate(params['head']):
        h = h @ hl['W'] + hl['b']
        if i < len(params['head']) - 1:
            h = jax.nn.relu(h)
    return h


def reference(data, params):
    return _forward(data, params)

if __name__ == "__main__":
    import jax
    _d = setup_inputs()
    print(jax.jit(kernel)(*tuple(_d.values())))

</pallas_src>

<mosaic_0001>
module attributes {stable_mosaic.version = 14 : i64} {
  func.func @_head_kernel(%arg0: memref<4x1024xf32, #tpu.memory_space<vmem>>, %arg1: memref<1024x1024xf32, #tpu.memory_space<vmem>>, %arg2: memref<1024xf32, #tpu.memory_space<vmem>>, %arg3: memref<1024x256xf32, #tpu.memory_space<vmem>>, %arg4: memref<256xf32, #tpu.memory_space<vmem>>, %arg5: memref<256x128xf32, #tpu.memory_space<vmem>>, %arg6: memref<128xf32, #tpu.memory_space<vmem>>, %arg7: memref<128x12xf32, #tpu.memory_space<vmem>>, %arg8: memref<12xf32, #tpu.memory_space<vmem>>, %arg9: memref<4x12xf32, #tpu.memory_space<vmem>>) attributes {dimension_semantics = [], scalar_prefetch = 0 : i64, scratch_operands = 0 : i64, tpu.core_type = #tpu.core_type<tc>} {
    %get3A = arith.constant 0 : index
    %get3A_0 = arith.constant 0 : index
    %get3A_1 = vector.load %arg0[%get3A, %get3A_0] : memref<4x1024xf32, #tpu.memory_space<vmem>>, vector<4x1024xf32>
    %get3A_2 = arith.constant 0 : index
    %get3A_3 = arith.constant 0 : index
    %get3A_4 = vector.load %arg1[%get3A_2, %get3A_3] : memref<1024x1024xf32, #tpu.memory_space<vmem>>, vector<1024x1024xf32>
    %dot_general3A = arith.constant dense<0.000000e+00> : vector<4x1024xf32>
    %dot_general3A_5 = tpu.matmul %get3A_1, %get3A_4, %dot_general3A {dimension_numbers = #tpu.dot_dimension_numbers<[1], [0], [0], [1], [0, 0, 1, 1], [], []>, transpose_lhs_hint = false} : vector<4x1024xf32>, vector<1024x1024xf32>, vector<4x1024xf32> -> vector<4x1024xf32>
    %get3A_6 = arith.constant 0 : index
    %get3A_7 = vector.load %arg2[%get3A_6] : memref<1024xf32, #tpu.memory_space<vmem>>, vector<1024xf32>
    %broadcast_in_dim3A = vector.shape_cast %get3A_7 : vector<1024xf32> to vector<1x1024xf32>
    %add3A = vector.broadcast %broadcast_in_dim3A : vector<1x1024xf32> to vector<4x1024xf32>
    %add3A_8 = arith.addf %dot_general3A_5, %add3A : vector<4x1024xf32>
    %max3A = arith.constant 0.000000e+00 : f32
    %max3A_9 = vector.broadcast %max3A : f32 to vector<4x1024xf32>
    %max3A_10 = arith.maximumf %add3A_8, %max3A_9 : vector<4x1024xf32>
    %get3A_11 = arith.constant 0 : index
    %get3A_12 = arith.constant 0 : index
    %get3A_13 = vector.load %arg3[%get3A_11, %get3A_12] : memref<1024x256xf32, #tpu.memory_space<vmem>>, vector<1024x256xf32>
    %dot_general3A_14 = arith.constant dense<0.000000e+00> : vector<4x256xf32>
    %dot_general3A_15 = tpu.matmul %max3A_10, %get3A_13, %dot_general3A_14 {dimension_numbers = #tpu.dot_dimension_numbers<[1], [0], [0], [1], [0, 0, 1, 1], [], []>, transpose_lhs_hint = false} : vector<4x1024xf32>, vector<1024x256xf32>, vector<4x256xf32> -> vector<4x256xf32>
    %get3A_16 = arith.constant 0 : index
    %get3A_17 = vector.load %arg4[%get3A_16] : memref<256xf32, #tpu.memory_space<vmem>>, vector<256xf32>
    %broadcast_in_dim3A_18 = vector.shape_cast %get3A_17 : vector<256xf32> to vector<1x256xf32>
    %add3A_19 = vector.broadcast %broadcast_in_dim3A_18 : vector<1x256xf32> to vector<4x256xf32>
    %add3A_20 = arith.addf %dot_general3A_15, %add3A_19 : vector<4x256xf32>
    %max3A_21 = arith.constant 0.000000e+00 : f32
    %max3A_22 = vector.broadcast %max3A_21 : f32 to vector<4x256xf32>
    %max3A_23 = arith.maximumf %add3A_20, %max3A_22 : vector<4x256xf32>
    %get3A_24 = arith.constant 0 : index
    %get3A_25 = arith.constant 0 : index
    %get3A_26 = vector.load %arg5[%get3A_24, %get3A_25] : memref<256x128xf32, #tpu.memory_space<vmem>>, vector<256x128xf32>
    %dot_general3A_27 = arith.constant dense<0.000000e+00> : vector<4x128xf32>
    %dot_general3A_28 = tpu.matmul %max3A_23, %get3A_26, %dot_general3A_27 {dimension_numbers = #tpu.dot_dimension_numbers<[1], [0], [0], [1], [0, 0, 1, 1], [], []>, transpose_lhs_hint = false} : vector<4x256xf32>, vector<256x128xf32>, vector<4x128xf32> -> vector<4x128xf32>
    %get3A_29 = arith.constant 0 : index
    %get3A_30 = vector.load %arg6[%get3A_29] : memref<128xf32, #tpu.memory_space<vmem>>, vector<128xf32>
    %broadcast_in_dim3A_31 = vector.shape_cast %get3A_30 : vector<128xf32> to vector<1x128xf32>
    %add3A_32 = vector.broadcast %broadcast_in_dim3A_31 : vector<1x128xf32> to vector<4x128xf32>
    %add3A_33 = arith.addf %dot_general3A_28, %add3A_32 : vector<4x128xf32>
    %max3A_34 = arith.constant 0.000000e+00 : f32
    %max3A_35 = vector.broadcast %max3A_34 : f32 to vector<4x128xf32>
    %max3A_36 = arith.maximumf %add3A_33, %max3A_35 : vector<4x128xf32>
    %get3A_37 = arith.constant 0 : index
    %get3A_38 = arith.constant 0 : index
    %get3A_39 = vector.load %arg7[%get3A_37, %get3A_38] : memref<128x12xf32, #tpu.memory_space<vmem>>, vector<128x12xf32>
    %dot_general3A_40 = arith.constant dense<0.000000e+00> : vector<4x12xf32>
    %dot_general3A_41 = tpu.matmul %max3A_36, %get3A_39, %dot_general3A_40 {dimension_numbers = #tpu.dot_dimension_numbers<[1], [0], [0], [1], [0, 0, 1, 1], [], []>, transpose_lhs_hint = false} : vector<4x128xf32>, vector<128x12xf32>, vector<4x12xf32> -> vector<4x12xf32>
    %get3A_42 = arith.constant 0 : index
    %get3A_43 = vector.load %arg8[%get3A_42] : memref<12xf32, #tpu.memory_space<vmem>>, vector<12xf32>
    %broadcast_in_dim3A_44 = vector.shape_cast %get3A_43 : vector<12xf32> to vector<1x12xf32>
    %add3A_45 = vector.broadcast %broadcast_in_dim3A_44 : vector<1x12xf32> to vector<4x12xf32>
    %add3A_46 = arith.addf %dot_general3A_41, %add3A_45 : vector<4x12xf32>
    %swap3A = arith.constant 0 : index
    %swap3A_47 = arith.constant 0 : index
    %swap3A_48 = vector.load %arg9[%swap3A, %swap3A_47] : memref<4x12xf32, #tpu.memory_space<vmem>>, vector<4x12xf32>
    tpu.vector_store %arg9[%swap3A, %swap3A_47], %add3A_46 {strides = array<i32>} : memref<4x12xf32, #tpu.memory_space<vmem>>, vector<4x12xf32>,
    return
  }
}

</mosaic_0001>

<sc_bundles>
// kernel: sparse-core-data-format-call.1.cloned.1.call-start
scs
called_computation.1_lowered:
.L_overlay_start_0:
0x0: {  	s1 =	sld [smem:$0x3FD9]  }
0x1: {  	s2 =	sld [smem:$0x3FFE];
	_ =	sdelay $0x1  }
0x2: {  	s3 =	srdreg.scid  }
0x3: {  	s0 =	sand.u32 $0x1, s3  }
0x4: {  	s17 =	sshll.u32 s0, $0xA;
	s1 =	sadd.s32 s2, s1  }
0x5: {  	s1 =	sadd.s32 s1, s17  }
0x6: {  	[smem:$0x3F8E] =	sst s1  }
0x7: {  	_ = 	snop  }
0x8: {  	(tm) =	ssettm $0x1  }
0x9: {  	s18 =	sld [smem:$0x3FFB];
	_ =	sdelay $0x3  }
0xa: {  	_ =	strace s18  }
0xb: {  	s1 =	sld [smem:$0x3FFC];
	_ =	sdelay $0x3  }
0xc: {  	_ =	strace s1  }
0xd: {  	s1 =	sld [smem:$0x3FFD];
	_ =	sdelay $0x3  }
0xe: {  	_ =	strace s1  }
0xf: {  	_ =	strace $0x8FFFFFFF  }
0x10: {  	s19 =	sld [smem:$0x3FDB];
	_ =	sdelay $0x1  }
0x11: {  	s20 =	simm.s32 $_scs_section_size  }
0x12: {  	s4 =	simm.s32 $_size__tile_overlayer_lowered;
	s5 =	simm.s32 $_tile_overlayer_lowered  }
0x13: {  	s23 =	simm.s32 $0x1BFF;
	s22 =	sshll.u32 s5, $0x1;
	s1 =	sadd.s32 s20, s19  }
0x14: {  	s6 =	simm.s32 $0x0;
	s21 =	sshll.u32 s4, $0x1;
	s4 =	sadd.s32 s22, s1  }
0x15: {  	[timem:s6], [sflag:s23] =	dma.local [hbm:s4], s21  }
0x16: {  	_ =	swait.ge [sflag:s23], s21  }
0x17: {  	s2 =	ssub.s32 $0x0, s21;
	[sflag:s23] =	ssyncset.done $0x0  }
0x18: {  	[sflag:s23] =	ssyncadd.s32 s2;
	_ =	sdelay $0x1  }
0x19: {  	s24 =	simm.s32 $0x1B8B  }
0x1a: {  	_ =	swait.ge [sflag:s24], $0x1  }
0x1b: {  	[sflag:s24] =	ssyncset.done $0x0  }
0x1c: {  	s26 =	simm.s32 $0x1B8E;
	s25 =	sld [smem:$0x3FFE];
	[sflag:s24] =	ssyncadd.s32 $0xFFFFFFFF  }
0x1d: {  	s27 =	simm.s32 $execute0_lowered;
	[smem:$0x3FD2] =	sst s26  }
0x1e: {  	s4 =	sshll.u32 s27, $0x1;
	_ =	strace $0x80000049;
	[dreg:$0x1] =	wrdreg $0xFFFFFFFF  }
0x1f: {  	s28 =	simm.s32 $_size_execute0_lowered;
	s1 =	sadd.s32 s1, s4;
	[dreg:$0x0] =	wrdreg $0x0  }
0x20: {  	s4 =	sshll.u32 s28, $0x1;
	[dreg:$0x2] =	wrdreg s1  }
0x21: {  	[dreg:$0x3] =	wrdreg s4  }
0x22: {  	[dreg:$0x4] =	wrdreg $0xC0  }
0x23: {  	_ =	task [dreg:s6], $0x5FFFF  }
0x24: {  	[dreg:$0x1] =	wrdreg $0xFFFFFFFF  }
0x25: {  	[dreg:$0x0] =	wrdreg $0x60  }
0x26: {  	[dreg:$0x2] =	wrdreg s25  }
0x27: {  	[dreg:$0x3] =	wrdreg $0x9  }
0x28: {  	_ =	task.clear_ibuf [dreg:s6], $0x4FFFF;
	_ =	strace $0x90000049  }
0x29: {  	s29 =	simm.s32 $0x9;
	_ =	strace $0x8000004B  }
0x2a: {  	_ =	swait.ge [sflag:s29], $0x1  }
0x2b: {  	[sflag:s29] =	ssyncadd.s32 $0xFFFFFFFF  }
0x2c: {  	_ =	strace $0x9000004B  }
0x2d: {  	_ =	sfence  }
0x2e: {  	s30 =	sld [smem:$0x0];
	_ =	sdelay $0x2  }
0x2f: {  	s31 =	sshll.u32 s3, $0xD;
	s3 =	sshrl.u32 s3, $0x2  }
0x30: {  	s2 =	sand.u32 $0x4000, s31;
	s1 =	sadd.s32 s3, s30  }
0x31: {  	s0 =	sor.u32 s2, s0;
	s1 =	sshll.u32 s1, $0x11  }
0x32: {  	s0 =	sor.u32 s1, s0  }
0x33: {  	s0 =	sadd.s32 $0x8F2B, s0  }
0x34: {  	[sflag:s0] =	ssyncadd.remote.s32 $0x1  }
0x35: {  	_ =	sfence.sel $0xFFFF  }
0x36: {  	[dreg:$0x0] =	wrdreg $0xFFFFFFFF;
	(pc) =	sbr.abs _section_cstart, $3  }
0x37: {  	[dreg:$0x1] =	wrdreg $0xFFFFFFFF  }
0x38: {  	_ =	task.clear_ibuf [dreg:s6], $0x2FFFF;
	_ =	strace $0x9FFFFFFF  }
0x39: {  	(tm) =	ssettm $0x7FFFFFFF  }
tec
execute0_lowered:
.L_overlay_start_1:
0x0: {  	(tag) =	ssettag $0x1  }
0x1: {  	s1 =	rddreg [dreg:$0x0]  }
0x2: {  	s0 =	rddreg [dreg:$0x1];
	_ =	strace $0x8000004A  }
0x3: {  	s4 =	srdreg.scid;
	s6 =	simm.s32 $0x2;
	s13 =	simm.s32 $0x0  }
0x4: {  	p0 =	por $0x0, $0x0;
	s11 =	simm.s32 $0x0;
	s12 =	simm.s32 $0x0  }
.Ltmp0:
0x5: {  	s8 =	simm.s32 $0x0;
	s9 =	simm.s32 $0x0;
	(pc) =	sbr.rel .LBB1_1-.Ltmp0, $4  }
0x6: {  	s2 =	sadd.s32 $0x208000, s1;
	s3 =	sadd.s32 $0x4DF000, s1;
	s4 =	sshll.u32 s4, $0x4  }
0x7: {  	s1 =	stileid.u32;
	s5 =	sand.u32 $0x10, s4;
	s4 =	simm.s32 $0x1  }
0x8: {  	s7 =	simm.s32 $0x0;
	s5 =	sor.u32 s1, s5;
	[sflag:s4] =	ssyncpa.u1 $0x0  }
0x9: {  	[sflag:s6] =	ssyncpa.u1 $0x0;
	s6 =	simm.s32 $0x1000;
	s10 =	smov.u32 s5  }
.LBB1_5:
0xa: {  	s14 =	sadd.s32 $0x80, s8  }
0xb: {  	s11 =	sadd.s32 $0x80, s9;
	s15 =	smov.u32 s9;
	p2 =	sgt.s32 s14, $0x1FF  }
0xc: {  	s15 =	smov.u32 @p2 s11  }
0xd: {  	s17 =	smov.u32 s10;
	s11 =	sadd.s32 $0x20, s10;
	p3 =	sgt.s32 s15, $0x1FF  }
0xe: {  	p1 =	slt.u32 s7, $0x2;
	s17 =	smov.u32 @p3 s11  }
0xf: {  	s7 =	sadd.s32 $0x1, s7;
	s14 =	simm.s32 @p2 $0x0;
	p2 =	sgt.s32 s17, $0x3F  }
0x10: {  	s17 =	smov.u32 @p2 s5;
	p2 =	sne.s32 s7, $0x22  }
.Ltmp1:
0x11: {  	s16 =	simm.s32 @!p1 $0x2;
	(pc) =	sbr.rel @!p2 .LBB1_6-.Ltmp1, $4  }
0x12: {  	s13 =	smov.u32 s8;
	_ =	swait.ge @!p1 [sflag:s16], $0x4000  }
0x13: {  	s12 =	smov.u32 s10;
	p0 =	por !p0, !p0;
	[sflag:s16] =	ssyncset.done @!p1 $0x0  }
0x14: {  	s8 =	smov.u32 s14;
	s15 =	simm.s32 @p3 $0x0;
	s11 =	smov.u32 s9  }
0x15: {  	[sflag:s16] =	ssyncadd.s32 @!p1 $0xFFFFC000;
	s9 =	smov.u32 s15;
	s10 =	smov.u32 s17  }
.LBB1_1:
0x16: {  	p1 =	sgt.u32 s7, $0x1F  }
0x17: {  	s14 =	sxor.u32 @!p1 $0xFFFFFFFF, s7  }
0x18: {  	s15 =	sshll.u32 @!p1 s9, $0x9;
	s16 =	sshll.u32 @!p1 s8, $0x3;
	s17 =	sshll.u32 @!p1 s9, $0x7  }
0x19: {  	s18 =	sand.u32 @!p1 $0x78, s8;
	s15 =	sand.u32 @!p1 $0x3F000, s15;
	s16 =	sand.u32 @!p1 $0x3FC00, s16  }
0x1a: {  	s14 =	sshll.u32 @!p1 s14, $0xE;
	s15 =	sadd.s32 @!p1 s15, s16;
	s16 =	sand.u32 @!p1 $0x200, s17  }
0x1b: {  	s14 =	sand.u32 @!p1 $0x4000, s14;
	s15 =	sor.u32 @!p1 s16, s15;
	s16 =	sand.u32 @!p1 $0x180, s17  }
0x1c: {  	s17 =	sshll.u32 @!p1 s10, $0xF;
	s16 =	sor.u32 @!p1 s18, s16;
	s15 =	sshrl.u32 @!p1 s15, $0x3  }
0x1d: {  	s17 =	sadd.s32 @!p1 s2, s17;
	s18 =	sand.u32 @!p1 $0x7, s8;
	s16 =	sshrl.u32 @!p1 s16, $0x3  }
0x1e: {  	s15 =	sand.u32 @!p1 $0x7FC0, s15;
	s16 =	sadd.s32 @!p1 s16, s17;
	s17 =	sshll.u32 @!p1 s18, $0x12  }
0x1f: {  	s15 =	sadd.s32 @!p1 s15, s16;
	s16 =	sor.u32 @!p1 $0x400, s17;
	s17 =	simm.s32 @!p1 $0x1000  }
0x20: {  	[tilespmem:s14], [sflag:$0x1] =	stream.strided.gather @!p1 [hbm4b:s15+s16], $0x4000, s17, s16, $0x38;
	[tilespmem:$0x10100] =	vst v63  }
0x21: {  	p1 =	seq.s32 s7, $0x0  }
0x22: {  	p2 =	seq.s32 @!p1 s7, $0x21  }
0x23: {  	p1 =	por p1, p2  }
.Ltmp2:
0x24: {  	_ = 	snop;
	(pc) =	sbr.rel @p1 .LBB1_5-.Ltmp2, $1  }
0x25: {  	_ =	sdelay $0x3  }
0x26: {  	s14 =	simm.s32 $0x1  }
0x27: {  	_ =	swait.ge [sflag:s4], $0x4000;
	s14 =	simm.s32 @!p0 $0x0  }
0x28: {  	[sflag:s4] =	ssyncset.done $0x0;
	s15 =	sshll.u32 s14, $0xE  }
0x29: {  	[sflag:s4] =	ssyncadd.s32 $0xFFFFC000;
	s16 =	sor.u32 $0x40, s15  }
0x2a: {  	s14 =	smul.u32 $0x10200, s14;
	v0 =	vld [tilespmem:s16+$0x30]  }
0x2b: {  	v3 =	vld [tilespmem:s16+$0xFFFFFFD0]  }
0x2c: {  	s14 =	sshrl.u32 s14, $0x2;
	v4 =	vld [tilespmem:s16+$0xFFFFFFE0]  }
0x2d: {  	v5 =	vld [tilespmem:s16+$0xFFFFFFF0];
	s15 =	sor.u32 $0x8000, s14  }
0x2e: {  	s31 =	sand.u32 $0x1, s7;
	v1 =	vld [tilespmem:s16+$0x0];
	s17 =	sadd.s32 $0x0, s15  }
0x2f: {  	v2 =	vld [tilespmem:s16+$0x10];
	s14 =	smul.u32 $0x10200, s31;
	[tilespmem:s17+$0x3870 ss:$0x81] =	vst.msk $0xffff, v0  }
0x30: {  	[tilespmem:s17+$0x810 ss:$0x81] =	vst.msk $0xffff, v3;
	v3 =	vld [tilespmem:s16+$0x20]  }
0x31: {  	s14 =	sshrl.u32 s14, $0x2;
	v0 =	vld [tilespmem:s16+$0xFFFFFFC0];
	[tilespmem:s17+$0x1020 ss:$0x81] =	vst.msk $0xffff, v4;
	s16 =	sadd.s32 $0x80, s16  }
0x32: {  	s18 =	simm.s32 $0x4;
	s19 =	simm.s32 $0x8;
	s14 =	sor.u32 $0x8000, s14;
	[tilespmem:s17+$0x1830 ss:$0x81] =	vst.msk $0xffff, v5;
	v4 =	vld [tilespmem:s16+$0x30]  }
.LBB1_3:
0x33: {  	p1 =	sne.s32 s19, $0x1FC;
	v5 =	vld [tilespmem:s16+$0xFFFFFFD0];
	[tilespmem:s17+$0x2040 ss:$0x81] =	vst.msk $0xffff, v1  }
0x34: {  	v6 =	vld [tilespmem:s16+$0xFFFFFFE0];
	[tilespmem:s17+$0x2850 ss:$0x81] =	vst.msk $0xffff, v2  }
0x35: {  	s20 =	sshra.s32 s18, $0x2;
	s18 =	smov.u32 s19;
	v7 =	vld [tilespmem:s16+$0xFFFFFFF0];
	[tilespmem:s17+$0x3060 ss:$0x81] =	vst.msk $0xffff, v3  }
.Ltmp3:
0x36: {  	v1 =	vld [tilespmem:s16+$0x0];
	[tilespmem:s17+$0x0 ss:$0x81] =	vst.msk $0xffff, v0;
	s17 =	sadd.s32 s20, s15;
	(pc) =	sbr.rel @p1 .LBB1_3-.Ltmp3, $4  }
0x37: {  	v2 =	vld [tilespmem:s16+$0x10];
	[tilespmem:s17+$0x3870 ss:$0x81] =	vst.msk $0xffff, v4  }
0x38: {  	[tilespmem:s17+$0x810 ss:$0x81] =	vst.msk $0xffff, v5;
	v3 =	vld [tilespmem:s16+$0x20]  }
0x39: {  	v0 =	vld [tilespmem:s16+$0xFFFFFFC0];
	[tilespmem:s17+$0x1020 ss:$0x81] =	vst.msk $0xffff, v6;
	s16 =	sadd.s32 $0x80, s16  }
0x3a: {  	s19 =	sadd.s32 $0x4, s19;
	v4 =	vld [tilespmem:s16+$0x30];
	[tilespmem:s17+$0x1830 ss:$0x81] =	vst.msk $0xffff, v7  }
0x3b: {  	v5 =	vld [tilespmem:s16+$0xFFFFFFD0];
	[tilespmem:s17+$0x2040 ss:$0x81] =	vst.msk $0xffff, v1  }
0x3c: {  	v58 =	vld [tilespmem:s16+$0xFFFFFFE0];
	[tilespmem:s17+$0x2850 ss:$0x81] =	vst.msk $0xffff, v2  }
0x3d: {  	s18 =	sshra.s32 s18, $0x2;
	v59 =	vld [tilespmem:s16+$0xFFFFFFF0];
	[tilespmem:s17+$0x3060 ss:$0x81] =	vst.msk $0xffff, v3  }
0x3e: {  	v60 =	vld [tilespmem:s16+$0x0];
	s15 =	sadd.s32 s18, s15;
	[tilespmem:s17+$0x0 ss:$0x81] =	vst.msk $0xffff, v0  }
0x3f: {  	v61 =	vld [tilespmem:s16+$0x10];
	s25 =	sshll.u32 s13, $0x9;
	s26 =	sshll.u32 s11, $0x3;
	[tilespmem:s15+$0x3870 ss:$0x81] =	vst.msk $0xffff, v4  }
0x40: {  	v62 =	vld [tilespmem:s16+$0x20];
	s27 =	sshll.u32 s13, $0x7;
	s30 =	sand.u32 $0x78, s11;
	s12 =	sshll.u32 s12, $0xF;
	[tilespmem:s15+$0x810 ss:$0x81] =	vst.msk $0xffff, v5  }
0x41: {  	v63 =	vld [tilespmem:s16+$0xFFFFFFC0];
	s31 =	sand.u32 $0x7, s11;
	s18 =	sand.u32 $0x3FC00, s26;
	s17 =	sand.u32 $0x3F000, s25;
	[tilespmem:s15+$0x1020 ss:$0x81] =	vst.msk $0xffff, v58  }
0x42: {  	s29 =	sand.u32 $0x200, s27;
	s13 =	sand.u32 $0x180, s27;
	s28 =	sadd.s32 s18, s17;
	[tilespmem:s15+$0x1830 ss:$0x81] =	vst.msk $0xffff, v59  }
.Ltmp4:
0x43: {  	s13 =	sor.u32 s30, s13;
	s16 =	sor.u32 s29, s28;
	[tilespmem:s15+$0x2040 ss:$0x81] =	vst.msk $0xffff, v60;
	(pc) =	sbr.rel .LBB1_5-.Ltmp4, $4  }
0x44: {  	s12 =	sadd.s32 s3, s12;
	s13 =	sshrl.u32 s13, $0x3;
	[tilespmem:s15+$0x2850 ss:$0x81] =	vst.msk $0xffff, v61;
	s16 =	sshrl.u32 s16, $0x3  }
0x45: {  	s11 =	sshll.u32 s31, $0x12;
	s12 =	sadd.s32 s13, s12;
	[tilespmem:s15+$0x3060 ss:$0x81] =	vst.msk $0xffff, v62;
	s16 =	sand.u32 $0x7FC0, s16  }
0x46: {  	s11 =	sor.u32 $0x400, s11;
	[tilespmem:s15+$0x0 ss:$0x81] =	vst.msk $0xffff, v63;
	s12 =	sadd.s32 s16, s12  }
0x47: {  	[hbm4b:s12+s11] =	stream.strided.scatter [tilespmem:s14], [sflag:$0x2], $0x4000, s6, s11, $0x20;
	[tilespmem:$0x10100] =	vst v63  }
.LBB1_6:
0x48: {  	_ =	sfence.sel $0x180000  }
0x49: {  	s2 =	simm.s32 $0x1;
	[bflag:$0x0] =	sbarrier.arrive $0xFFFF  }
0x4a: {  	s31 =	simm.s32 $0x2;
	[sflag:s2] =	ssyncpa.u1 $0x1  }
0x4b: {  	[sflag:s31] =	ssyncpa.u1 $0x1  }
0x4c: {  	p0 =	sne.s32 s1, $0x0;
	_ =	strace $0x9000004A  }
0x4d: {  	s0 =	sadd.s32 @!p0 $0x100000, s0;
	[bflag:$0x2] =	sbarrier.arrive $0xFFFF  }
0x4e: {  	[sflag:s0] =	ssyncadd.tile.s32 @!p0 $0x1;
	_ =	shalt  }
.Lfunc_end1:
_tile_overlayer_lowered:
.L_overlay_start_2:
0x4f: {  	(tag) =	ssettag $0x2  }
0x50: {  	s0 =	rddreg [dreg:$0x0];
	s2 =	stileid.u32  }
0x51: {  	s1 =	rddreg [dreg:$0x1];
	p0 =	sne.s32 s2, $0x0  }
0x52: {  	s3 =	rddreg [dreg:$0x2];
	[bflag:$0x3] =	sbarrier.arrive $0xFFFF;
	s2 =	simm.s32 @!p0 $0x1C01  }
0x53: {  	[timem:s3], [sflag:s2] =	dma.local @!p0 [hbm:s0], s1  }
0x54: {  	s0 =	simm.s32 @!p0 $0x1  }
0x55: {  	_ =	swait.ge @!p0 [sflag:s0], s1  }
0x56: {  	s1 =	ssub.s32 @!p0 $0x0, s1;
	[sflag:s0] =	ssyncset.done @!p0 $0x0  }
0x57: {  	[sflag:s0] =	ssyncadd.s32 @!p0 s1  }
0x58: {  	[bflag:$0x3] =	sbarrier.arrive $0xFFFF  }
0x59: {  	_ =	shalt  }

// kernel: sparse-core-data-format-call.2.cloned.1.call-start
scs
called_computation.2_lowered:
.L_overlay_start_0:
0x0: {  	s1 =	sld [smem:$0x3FD9]  }
0x1: {  	s2 =	sld [smem:$0x3FFE];
	_ =	sdelay $0x1  }
0x2: {  	s3 =	srdreg.scid  }
0x3: {  	s0 =	sand.u32 $0x1, s3  }
0x4: {  	s17 =	sshll.u32 s0, $0xA;
	s1 =	sadd.s32 s2, s1  }
0x5: {  	s1 =	sadd.s32 s1, s17  }
0x6: {  	[smem:$0x3F8E] =	sst s1  }
0x7: {  	_ = 	snop  }
0x8: {  	(tm) =	ssettm $0x1  }
0x9: {  	s18 =	sld [smem:$0x3FFB];
	_ =	sdelay $0x3  }
0xa: {  	_ =	strace s18  }
0xb: {  	s1 =	sld [smem:$0x3FFC];
	_ =	sdelay $0x3  }
0xc: {  	_ =	strace s1  }
0xd: {  	s1 =	sld [smem:$0x3FFD];
	_ =	sdelay $0x3  }
0xe: {  	_ =	strace s1  }
0xf: {  	_ =	strace $0x8FFFFFFF  }
0x10: {  	s19 =	sld [smem:$0x3FDB];
	_ =	sdelay $0x1  }
0x11: {  	s20 =	simm.s32 $_scs_section_size  }
0x12: {  	s4 =	simm.s32 $_size__tile_overlayer_lowered;
	s5 =	simm.s32 $_tile_overlayer_lowered  }
0x13: {  	s23 =	simm.s32 $0x1BFF;
	s22 =	sshll.u32 s5, $0x1;
	s1 =	sadd.s32 s20, s19  }
0x14: {  	s6 =	simm.s32 $0x0;
	s21 =	sshll.u32 s4, $0x1;
	s4 =	sadd.s32 s22, s1  }
0x15: {  	[timem:s6], [sflag:s23] =	dma.local [hbm:s4], s21  }
0x16: {  	_ =	swait.ge [sflag:s23], s21  }
0x17: {  	s2 =	ssub.s32 $0x0, s21;
	[sflag:s23] =	ssyncset.done $0x0  }
0x18: {  	[sflag:s23] =	ssyncadd.s32 s2;
	_ =	sdelay $0x1  }
0x19: {  	s24 =	simm.s32 $0x1B8B  }
0x1a: {  	_ =	swait.ge [sflag:s24], $0x1  }
0x1b: {  	[sflag:s24] =	ssyncset.done $0x0  }
0x1c: {  	s26 =	simm.s32 $0x1B8E;
	s25 =	sld [smem:$0x3FFE];
	[sflag:s24] =	ssyncadd.s32 $0xFFFFFFFF  }
0x1d: {  	s27 =	simm.s32 $execute0_lowered;
	[smem:$0x3FD2] =	sst s26  }
0x1e: {  	s4 =	sshll.u32 s27, $0x1;
	_ =	strace $0x80000046;
	[dreg:$0x1] =	wrdreg $0xFFFFFFFF  }
0x1f: {  	s28 =	simm.s32 $_size_execute0_lowered;
	s1 =	sadd.s32 s1, s4;
	[dreg:$0x0] =	wrdreg $0x0  }
0x20: {  	s4 =	sshll.u32 s28, $0x1;
	[dreg:$0x2] =	wrdreg s1  }
0x21: {  	[dreg:$0x3] =	wrdreg s4  }
0x22: {  	[dreg:$0x4] =	wrdreg $0xC0  }
0x23: {  	_ =	task [dreg:s6], $0x5FFFF  }
0x24: {  	[dreg:$0x1] =	wrdreg $0xFFFFFFFF  }
0x25: {  	[dreg:$0x0] =	wrdreg $0x60  }
0x26: {  	[dreg:$0x2] =	wrdreg s25  }
0x27: {  	[dreg:$0x3] =	wrdreg $0x9  }
0x28: {  	_ =	task.clear_ibuf [dreg:s6], $0x4FFFF;
	_ =	strace $0x90000046  }
0x29: {  	s29 =	simm.s32 $0x9;
	_ =	strace $0x80000048  }
0x2a: {  	_ =	swait.ge [sflag:s29], $0x1  }
0x2b: {  	[sflag:s29] =	ssyncadd.s32 $0xFFFFFFFF  }
0x2c: {  	_ =	strace $0x90000048  }
0x2d: {  	_ =	sfence  }
0x2e: {  	s30 =	sld [smem:$0x0];
	_ =	sdelay $0x2  }
0x2f: {  	s31 =	sshll.u32 s3, $0xD;
	s3 =	sshrl.u32 s3, $0x2  }
0x30: {  	s2 =	sand.u32 $0x4000, s31;
	s1 =	sadd.s32 s3, s30  }
0x31: {  	s0 =	sor.u32 s2, s0;
	s1 =	sshll.u32 s1, $0x11  }
0x32: {  	s0 =	sor.u32 s1, s0  }
0x33: {  	s0 =	sadd.s32 $0x8F2B, s0  }
0x34: {  	[sflag:s0] =	ssyncadd.remote.s32 $0x1  }
0x35: {  	_ =	sfence.sel $0xFFFF  }
0x36: {  	[dreg:$0x0] =	wrdreg $0xFFFFFFFF;
	(pc) =	sbr.abs _section_cstart, $3  }
0x37: {  	[dreg:$0x1] =	wrdreg $0xFFFFFFFF  }
0x38: {  	_ =	task.clear_ibuf [dreg:s6], $0x2FFFF;
	_ =	strace $0x9FFFFFFF  }
0x39: {  	(tm) =	ssettm $0x7FFFFFFF  }
tec
execute0_lowered:
.L_overlay_start_1:
0x0: {  	(tag) =	ssettag $0x1  }
0x1: {  	s1 =	rddreg [dreg:$0x0]  }
0x2: {  	s0 =	rddreg [dreg:$0x1];
	_ =	strace $0x80000047  }
0x3: {  	s4 =	srdreg.scid;
	s6 =	simm.s32 $0x2;
	s13 =	simm.s32 $0x0  }
0x4: {  	p0 =	por $0x0, $0x0;
	s11 =	simm.s32 $0x0;
	s12 =	simm.s32 $0x0  }
.Ltmp0:
0x5: {  	s8 =	simm.s32 $0x0;
	s9 =	simm.s32 $0x0;
	(pc) =	sbr.rel .LBB1_1-.Ltmp0, $4  }
0x6: {  	s2 =	sadd.s32 $0xB000, s1;
	s3 =	sadd.s32 $0x20B000, s1;
	s4 =	sshll.u32 s4, $0x4  }
0x7: {  	s1 =	stileid.u32;
	s5 =	sand.u32 $0x10, s4;
	s4 =	simm.s32 $0x1  }
0x8: {  	s7 =	simm.s32 $0x0;
	s5 =	sor.u32 s1, s5;
	[sflag:s4] =	ssyncpa.u1 $0x0  }
0x9: {  	[sflag:s6] =	ssyncpa.u1 $0x0;
	s6 =	simm.s32 $0x1000;
	s10 =	smov.u32 s5  }
.LBB1_5:
0xa: {  	s14 =	sadd.s32 $0x80, s8  }
0xb: {  	s11 =	sadd.s32 $0x80, s9;
	s15 =	smov.u32 s9;
	p2 =	sgt.s32 s14, $0x1FF  }
0xc: {  	s15 =	smov.u32 @p2 s11  }
0xd: {  	s17 =	smov.u32 s10;
	s11 =	sadd.s32 $0x20, s10;
	p3 =	sgt.s32 s15, $0x1FF  }
0xe: {  	p1 =	slt.u32 s7, $0x2;
	s17 =	smov.u32 @p3 s11  }
0xf: {  	s7 =	sadd.s32 $0x1, s7;
	s14 =	simm.s32 @p2 $0x0;
	p2 =	sgt.s32 s17, $0x3F  }
0x10: {  	s17 =	smov.u32 @p2 s5;
	p2 =	sne.s32 s7, $0x22  }
.Ltmp1:
0x11: {  	s16 =	simm.s32 @!p1 $0x2;
	(pc) =	sbr.rel @!p2 .LBB1_6-.Ltmp1, $4  }
0x12: {  	s13 =	smov.u32 s8;
	_ =	swait.ge @!p1 [sflag:s16], $0x4000  }
0x13: {  	s12 =	smov.u32 s10;
	p0 =	por !p0, !p0;
	[sflag:s16] =	ssyncset.done @!p1 $0x0  }
0x14: {  	s8 =	smov.u32 s14;
	s15 =	simm.s32 @p3 $0x0;
	s11 =	smov.u32 s9  }
0x15: {  	[sflag:s16] =	ssyncadd.s32 @!p1 $0xFFFFC000;
	s9 =	smov.u32 s15;
	s10 =	smov.u32 s17  }
.LBB1_1:
0x16: {  	p1 =	sgt.u32 s7, $0x1F  }
0x17: {  	s14 =	sxor.u32 @!p1 $0xFFFFFFFF, s7  }
0x18: {  	s15 =	sshll.u32 @!p1 s9, $0x9;
	s16 =	sshll.u32 @!p1 s8, $0x3;
	s17 =	sshll.u32 @!p1 s9, $0x7  }
0x19: {  	s18 =	sand.u32 @!p1 $0x78, s8;
	s15 =	sand.u32 @!p1 $0x3F000, s15;
	s16 =	sand.u32 @!p1 $0x3FC00, s16  }
0x1a: {  	s14 =	sshll.u32 @!p1 s14, $0xE;
	s15 =	sadd.s32 @!p1 s15, s16;
	s16 =	sand.u32 @!p1 $0x200, s17  }
0x1b: {  	s14 =	sand.u32 @!p1 $0x4000, s14;
	s15 =	sor.u32 @!p1 s16, s15;
	s16 =	sand.u32 @!p1 $0x180, s17  }
0x1c: {  	s17 =	sshll.u32 @!p1 s10, $0xF;
	s16 =	sor.u32 @!p1 s18, s16;
	s15 =	sshrl.u32 @!p1 s15, $0x3  }
0x1d: {  	s17 =	sadd.s32 @!p1 s2, s17;
	s18 =	sand.u32 @!p1 $0x7, s8;
	s16 =	sshrl.u32 @!p1 s16, $0x3  }
0x1e: {  	s15 =	sand.u32 @!p1 $0x7FC0, s15;
	s16 =	sadd.s32 @!p1 s16, s17;
	s17 =	sshll.u32 @!p1 s18, $0x12  }
0x1f: {  	s15 =	sadd.s32 @!p1 s15, s16;
	s16 =	sor.u32 @!p1 $0x400, s17;
	s17 =	simm.s32 @!p1 $0x1000  }
0x20: {  	[tilespmem:s14], [sflag:$0x1] =	stream.strided.gather @!p1 [hbm4b:s15+s16], $0x4000, s17, s16, $0x38;
	[tilespmem:$0x10100] =	vst v63  }
0x21: {  	p1 =	seq.s32 s7, $0x0  }
0x22: {  	p2 =	seq.s32 @!p1 s7, $0x21  }
0x23: {  	p1 =	por p1, p2  }
.Ltmp2:
0x24: {  	_ = 	snop;
	(pc) =	sbr.rel @p1 .LBB1_5-.Ltmp2, $1  }
0x25: {  	_ =	sdelay $0x3  }
0x26: {  	s14 =	simm.s32 $0x1  }
0x27: {  	_ =	swait.ge [sflag:s4], $0x4000;
	s14 =	simm.s32 @!p0 $0x0  }
0x28: {  	[sflag:s4] =	ssyncset.done $0x0;
	s15 =	sshll.u32 s14, $0xE  }
0x29: {  	[sflag:s4] =	ssyncadd.s32 $0xFFFFC000;
	s16 =	sor.u32 $0x40, s15  }
0x2a: {  	s14 =	smul.u32 $0x10200, s14;
	v0 =	vld [tilespmem:s16+$0x30]  }
0x2b: {  	v3 =	vld [tilespmem:s16+$0xFFFFFFD0]  }
0x2c: {  	s14 =	sshrl.u32 s14, $0x2;
	v4 =	vld [tilespmem:s16+$0xFFFFFFE0]  }
0x2d: {  	v5 =	vld [tilespmem:s16+$0xFFFFFFF0];
	s15 =	sor.u32 $0x8000, s14  }
0x2e: {  	s31 =	sand.u32 $0x1, s7;
	v1 =	vld [tilespmem:s16+$0x0];
	s17 =	sadd.s32 $0x0, s15  }
0x2f: {  	v2 =	vld [tilespmem:s16+$0x10];
	s14 =	smul.u32 $0x10200, s31;
	[tilespmem:s17+$0x3870 ss:$0x81] =	vst.msk $0xffff, v0  }
0x30: {  	[tilespmem:s17+$0x810 ss:$0x81] =	vst.msk $0xffff, v3;
	v3 =	vld [tilespmem:s16+$0x20]  }
0x31: {  	s14 =	sshrl.u32 s14, $0x2;
	v0 =	vld [tilespmem:s16+$0xFFFFFFC0];
	[tilespmem:s17+$0x1020 ss:$0x81] =	vst.msk $0xffff, v4;
	s16 =	sadd.s32 $0x80, s16  }
0x32: {  	s18 =	simm.s32 $0x4;
	s19 =	simm.s32 $0x8;
	s14 =	sor.u32 $0x8000, s14;
	[tilespmem:s17+$0x1830 ss:$0x81] =	vst.msk $0xffff, v5;
	v4 =	vld [tilespmem:s16+$0x30]  }
.LBB1_3:
0x33: {  	p1 =	sne.s32 s19, $0x1FC;
	v5 =	vld [tilespmem:s16+$0xFFFFFFD0];
	[tilespmem:s17+$0x2040 ss:$0x81] =	vst.msk $0xffff, v1  }
0x34: {  	v6 =	vld [tilespmem:s16+$0xFFFFFFE0];
	[tilespmem:s17+$0x2850 ss:$0x81] =	vst.msk $0xffff, v2  }
0x35: {  	s20 =	sshra.s32 s18, $0x2;
	s18 =	smov.u32 s19;
	v7 =	vld [tilespmem:s16+$0xFFFFFFF0];
	[tilespmem:s17+$0x3060 ss:$0x81] =	vst.msk $0xffff, v3  }
.Ltmp3:
0x36: {  	v1 =	vld [tilespmem:s16+$0x0];
	[tilespmem:s17+$0x0 ss:$0x81] =	vst.msk $0xffff, v0;
	s17 =	sadd.s32 s20, s15;
	(pc) =	sbr.rel @p1 .LBB1_3-.Ltmp3, $4  }
0x37: {  	v2 =	vld [tilespmem:s16+$0x10];
	[tilespmem:s17+$0x3870 ss:$0x81] =	vst.msk $0xffff, v4  }
0x38: {  	[tilespmem:s17+$0x810 ss:$0x81] =	vst.msk $0xffff, v5;
	v3 =	vld [tilespmem:s16+$0x20]  }
0x39: {  	v0 =	vld [tilespmem:s16+$0xFFFFFFC0];
	[tilespmem:s17+$0x1020 ss:$0x81] =	vst.msk $0xffff, v6;
	s16 =	sadd.s32 $0x80, s16  }
0x3a: {  	s19 =	sadd.s32 $0x4, s19;
	v4 =	vld [tilespmem:s16+$0x30];
	[tilespmem:s17+$0x1830 ss:$0x81] =	vst.msk $0xffff, v7  }
0x3b: {  	v5 =	vld [tilespmem:s16+$0xFFFFFFD0];
	[tilespmem:s17+$0x2040 ss:$0x81] =	vst.msk $0xffff, v1  }
0x3c: {  	v58 =	vld [tilespmem:s16+$0xFFFFFFE0];
	[tilespmem:s17+$0x2850 ss:$0x81] =	vst.msk $0xffff, v2  }
0x3d: {  	s18 =	sshra.s32 s18, $0x2;
	v59 =	vld [tilespmem:s16+$0xFFFFFFF0];
	[tilespmem:s17+$0x3060 ss:$0x81] =	vst.msk $0xffff, v3  }
0x3e: {  	v60 =	vld [tilespmem:s16+$0x0];
	s15 =	sadd.s32 s18, s15;
	[tilespmem:s17+$0x0 ss:$0x81] =	vst.msk $0xffff, v0  }
0x3f: {  	v61 =	vld [tilespmem:s16+$0x10];
	s25 =	sshll.u32 s13, $0x9;
	s26 =	sshll.u32 s11, $0x3;
	[tilespmem:s15+$0x3870 ss:$0x81] =	vst.msk $0xffff, v4  }
0x40: {  	v62 =	vld [tilespmem:s16+$0x20];
	s27 =	sshll.u32 s13, $0x7;
	s30 =	sand.u32 $0x78, s11;
	s12 =	sshll.u32 s12, $0xF;
	[tilespmem:s15+$0x810 ss:$0x81] =	vst.msk $0xffff, v5  }
0x41: {  	v63 =	vld [tilespmem:s16+$0xFFFFFFC0];
	s31 =	sand.u32 $0x7, s11;
	s18 =	sand.u32 $0x3FC00, s26;
	s17 =	sand.u32 $0x3F000, s25;
	[tilespmem:s15+$0x1020 ss:$0x81] =	vst.msk $0xffff, v58  }
0x42: {  	s29 =	sand.u32 $0x200, s27;
	s13 =	sand.u32 $0x180, s27;
	s28 =	sadd.s32 s18, s17;
	[tilespmem:s15+$0x1830 ss:$0x81] =	vst.msk $0xffff, v59  }
.Ltmp4:
0x43: {  	s13 =	sor.u32 s30, s13;
	s16 =	sor.u32 s29, s28;
	[tilespmem:s15+$0x2040 ss:$0x81] =	vst.msk $0xffff, v60;
	(pc) =	sbr.rel .LBB1_5-.Ltmp4, $4  }
0x44: {  	s12 =	sadd.s32 s3, s12;
	s13 =	sshrl.u32 s13, $0x3;
	[tilespmem:s15+$0x2850 ss:$0x81] =	vst.msk $0xffff, v61;
	s16 =	sshrl.u32 s16, $0x3  }
0x45: {  	s11 =	sshll.u32 s31, $0x12;
	s12 =	sadd.s32 s13, s12;
	[tilespmem:s15+$0x3060 ss:$0x81] =	vst.msk $0xffff, v62;
	s16 =	sand.u32 $0x7FC0, s16  }
0x46: {  	s11 =	sor.u32 $0x400, s11;
	[tilespmem:s15+$0x0 ss:$0x81] =	vst.msk $0xffff, v63;
	s12 =	sadd.s32 s16, s12  }
0x47: {  	[hbm4b:s12+s11] =	stream.strided.scatter [tilespmem:s14], [sflag:$0x2], $0x4000, s6, s11, $0x20;
	[tilespmem:$0x10100] =	vst v63  }
.LBB1_6:
0x48: {  	_ =	sfence.sel $0x180000  }
0x49: {  	s2 =	simm.s32 $0x1;
	[bflag:$0x0] =	sbarrier.arrive $0xFFFF  }
0x4a: {  	s31 =	simm.s32 $0x2;
	[sflag:s2] =	ssyncpa.u1 $0x1  }
0x4b: {  	[sflag:s31] =	ssyncpa.u1 $0x1  }
0x4c: {  	p0 =	sne.s32 s1, $0x0;
	_ =	strace $0x90000047  }
0x4d: {  	s0 =	sadd.s32 @!p0 $0x100000, s0;
	[bflag:$0x2] =	sbarrier.arrive $0xFFFF  }
0x4e: {  	[sflag:s0] =	ssyncadd.tile.s32 @!p0 $0x1;
	_ =	shalt  }
.Lfunc_end1:
_tile_overlayer_lowered:
.L_overlay_start_2:
0x4f: {  	(tag) =	ssettag $0x2  }
0x50: {  	s0 =	rddreg [dreg:$0x0];
	s2 =	stileid.u32  }
0x51: {  	s1 =	rddreg [dreg:$0x1];
	p0 =	sne.s32 s2, $0x0  }
0x52: {  	s3 =	rddreg [dreg:$0x2];
	[bflag:$0x3] =	sbarrier.arrive $0xFFFF;
	s2 =	simm.s32 @!p0 $0x1C01  }
0x53: {  	[timem:s3], [sflag:s2] =	dma.local @!p0 [hbm:s0], s1  }
0x54: {  	s0 =	simm.s32 @!p0 $0x1  }
0x55: {  	_ =	swait.ge @!p0 [sflag:s0], s1  }
0x56: {  	s1 =	ssub.s32 @!p0 $0x0, s1;
	[sflag:s0] =	ssyncset.done @!p0 $0x0  }
0x57: {  	[sflag:s0] =	ssyncadd.s32 @!p0 s1  }
0x58: {  	[bflag:$0x3] =	sbarrier.arrive $0xFFFF  }
0x59: {  	_ =	shalt  }

// kernel: sparse-core-data-format-call.cloned.1.call-start
scs
called_computation_lowered:
.L_overlay_start_0:
0x0: {  	s1 =	sld [smem:$0x3FD9]  }
0x1: {  	s2 =	sld [smem:$0x3FFE];
	_ =	sdelay $0x1  }
0x2: {  	s3 =	srdreg.scid  }
0x3: {  	s0 =	sand.u32 $0x1, s3  }
0x4: {  	s17 =	sshll.u32 s0, $0xA;
	s1 =	sadd.s32 s2, s1  }
0x5: {  	s1 =	sadd.s32 s1, s17  }
0x6: {  	[smem:$0x3F8E] =	sst s1  }
0x7: {  	_ = 	snop  }
0x8: {  	(tm) =	ssettm $0x1  }
0x9: {  	s18 =	sld [smem:$0x3FFB];
	_ =	sdelay $0x3  }
0xa: {  	_ =	strace s18  }
0xb: {  	s1 =	sld [smem:$0x3FFC];
	_ =	sdelay $0x3  }
0xc: {  	_ =	strace s1  }
0xd: {  	s1 =	sld [smem:$0x3FFD];
	_ =	sdelay $0x3  }
0xe: {  	_ =	strace s1  }
0xf: {  	_ =	strace $0x8FFFFFFF  }
0x10: {  	s19 =	sld [smem:$0x3FDB];
	_ =	sdelay $0x1  }
0x11: {  	s20 =	simm.s32 $_scs_section_size  }
0x12: {  	s4 =	simm.s32 $_size__tile_overlayer_lowered;
	s5 =	simm.s32 $_tile_overlayer_lowered  }
0x13: {  	s23 =	simm.s32 $0x1BFF;
	s22 =	sshll.u32 s5, $0x1;
	s1 =	sadd.s32 s20, s19  }
0x14: {  	s6 =	simm.s32 $0x0;
	s21 =	sshll.u32 s4, $0x1;
	s4 =	sadd.s32 s22, s1  }
0x15: {  	[timem:s6], [sflag:s23] =	dma.local [hbm:s4], s21  }
0x16: {  	_ =	swait.ge [sflag:s23], s21  }
0x17: {  	s2 =	ssub.s32 $0x0, s21;
	[sflag:s23] =	ssyncset.done $0x0  }
0x18: {  	[sflag:s23] =	ssyncadd.s32 s2;
	_ =	sdelay $0x1  }
0x19: {  	s24 =	simm.s32 $0x1B8B  }
0x1a: {  	_ =	swait.ge [sflag:s24], $0x1  }
0x1b: {  	[sflag:s24] =	ssyncset.done $0x0  }
0x1c: {  	s26 =	simm.s32 $0x1B8E;
	s25 =	sld [smem:$0x3FFE];
	[sflag:s24] =	ssyncadd.s32 $0xFFFFFFFF  }
0x1d: {  	s27 =	simm.s32 $execute0_lowered;
	[smem:$0x3FD2] =	sst s26  }
0x1e: {  	s4 =	sshll.u32 s27, $0x1;
	_ =	strace $0x8000004C;
	[dreg:$0x1] =	wrdreg $0xFFFFFFFF  }
0x1f: {  	s28 =	simm.s32 $_size_execute0_lowered;
	s1 =	sadd.s32 s1, s4;
	[dreg:$0x0] =	wrdreg $0x0  }
0x20: {  	s4 =	sshll.u32 s28, $0x1;
	[dreg:$0x2] =	wrdreg s1  }
0x21: {  	[dreg:$0x3] =	wrdreg s4  }
0x22: {  	[dreg:$0x4] =	wrdreg $0xC0  }
0x23: {  	_ =	task [dreg:s6], $0x5FFFF  }
0x24: {  	[dreg:$0x1] =	wrdreg $0xFFFFFFFF  }
0x25: {  	[dreg:$0x0] =	wrdreg $0x60  }
0x26: {  	[dreg:$0x2] =	wrdreg s25  }
0x27: {  	[dreg:$0x3] =	wrdreg $0x9  }
0x28: {  	_ =	task.clear_ibuf [dreg:s6], $0x4FFFF;
	_ =	strace $0x9000004C  }
0x29: {  	s29 =	simm.s32 $0x9;
	_ =	strace $0x8000004E  }
0x2a: {  	_ =	swait.ge [sflag:s29], $0x1  }
0x2b: {  	[sflag:s29] =	ssyncadd.s32 $0xFFFFFFFF  }
0x2c: {  	_ =	strace $0x9000004E  }
0x2d: {  	_ =	sfence  }
0x2e: {  	s30 =	sld [smem:$0x0];
	_ =	sdelay $0x2  }
0x2f: {  	s31 =	sshll.u32 s3, $0xD;
	s3 =	sshrl.u32 s3, $0x2  }
0x30: {  	s2 =	sand.u32 $0x4000, s31;
	s1 =	sadd.s32 s3, s30  }
0x31: {  	s0 =	sor.u32 s2, s0;
	s1 =	sshll.u32 s1, $0x11  }
0x32: {  	s0 =	sor.u32 s1, s0  }
0x33: {  	s0 =	sadd.s32 $0x8F2B, s0  }
0x34: {  	[sflag:s0] =	ssyncadd.remote.s32 $0x1  }
0x35: {  	_ =	sfence.sel $0xFFFF  }
0x36: {  	[dreg:$0x0] =	wrdreg $0xFFFFFFFF;
	(pc) =	sbr.abs _section_cstart, $3  }
0x37: {  	[dreg:$0x1] =	wrdreg $0xFFFFFFFF  }
0x38: {  	_ =	task.clear_ibuf [dreg:s6], $0x2FFFF;
	_ =	strace $0x9FFFFFFF  }
0x39: {  	(tm) =	ssettm $0x7FFFFFFF  }
tec
execute0_lowered:
.L_overlay_start_1:
0x0: {  	(tag) =	ssettag $0x1  }
0x1: {  	s1 =	rddreg [dreg:$0x0]  }
0x2: {  	s0 =	rddreg [dreg:$0x1];
	_ =	strace $0x8000004D  }
0x3: {  	s4 =	srdreg.scid;
	s6 =	simm.s32 $0x2;
	s13 =	simm.s32 $0x0  }
0x4: {  	p0 =	por $0x0, $0x0;
	s11 =	simm.s32 $0x0;
	s12 =	simm.s32 $0x0  }
.Ltmp0:
0x5: {  	s8 =	simm.s32 $0x0;
	s9 =	simm.s32 $0x0;
	(pc) =	sbr.rel .LBB1_1-.Ltmp0, $4  }
0x6: {  	s2 =	sadd.s32 $0x208000, s1;
	s3 =	sadd.s32 $0x4DF000, s1;
	s4 =	sshll.u32 s4, $0x4  }
0x7: {  	s1 =	stileid.u32;
	s5 =	sand.u32 $0x10, s4;
	s4 =	simm.s32 $0x1  }
0x8: {  	s7 =	simm.s32 $0x0;
	s5 =	sor.u32 s1, s5;
	[sflag:s4] =	ssyncpa.u1 $0x0  }
0x9: {  	[sflag:s6] =	ssyncpa.u1 $0x0;
	s6 =	simm.s32 $0x1000;
	s10 =	smov.u32 s5  }
.LBB1_5:
0xa: {  	s14 =	sadd.s32 $0x80, s8  }
0xb: {  	s11 =	sadd.s32 $0x80, s9;
	s15 =	smov.u32 s9;
	p2 =	sgt.s32 s14, $0x1FF  }
0xc: {  	s15 =	smov.u32 @p2 s11  }
0xd: {  	s17 =	smov.u32 s10;
	s11 =	sadd.s32 $0x20, s10;
	p3 =	sgt.s32 s15, $0x1FF  }
0xe: {  	p1 =	slt.u32 s7, $0x2;
	s17 =	smov.u32 @p3 s11  }
0xf: {  	s7 =	sadd.s32 $0x1, s7;
	s14 =	simm.s32 @p2 $0x0;
	p2 =	sgt.s32 s17, $0x3F  }
0x10: {  	s17 =	smov.u32 @p2 s5;
	p2 =	sne.s32 s7, $0x22  }
.Ltmp1:
0x11: {  	s16 =	simm.s32 @!p1 $0x2;
	(pc) =	sbr.rel @!p2 .LBB1_6-.Ltmp1, $4  }
0x12: {  	s13 =	smov.u32 s8;
	_ =	swait.ge @!p1 [sflag:s16], $0x4000  }
0x13: {  	s12 =	smov.u32 s10;
	p0 =	por !p0, !p0;
	[sflag:s16] =	ssyncset.done @!p1 $0x0  }
0x14: {  	s8 =	smov.u32 s14;
	s15 =	simm.s32 @p3 $0x0;
	s11 =	smov.u32 s9  }
0x15: {  	[sflag:s16] =	ssyncadd.s32 @!p1 $0xFFFFC000;
	s9 =	smov.u32 s15;
	s10 =	smov.u32 s17  }
.LBB1_1:
0x16: {  	p1 =	sgt.u32 s7, $0x1F  }
0x17: {  	s14 =	sxor.u32 @!p1 $0xFFFFFFFF, s7  }
0x18: {  	s15 =	sshll.u32 @!p1 s9, $0x9;
	s16 =	sshll.u32 @!p1 s8, $0x3;
	s17 =	sshll.u32 @!p1 s9, $0x7  }
0x19: {  	s18 =	sand.u32 @!p1 $0x78, s8;
	s15 =	sand.u32 @!p1 $0x3F000, s15;
	s16 =	sand.u32 @!p1 $0x3FC00, s16  }
0x1a: {  	s14 =	sshll.u32 @!p1 s14, $0xE;
	s15 =	sadd.s32 @!p1 s15, s16;
	s16 =	sand.u32 @!p1 $0x200, s17  }
0x1b: {  	s14 =	sand.u32 @!p1 $0x4000, s14;
	s15 =	sor.u32 @!p1 s16, s15;
	s16 =	sand.u32 @!p1 $0x180, s17  }
0x1c: {  	s17 =	sshll.u32 @!p1 s10, $0xF;
	s16 =	sor.u32 @!p1 s18, s16;
	s15 =	sshrl.u32 @!p1 s15, $0x3  }
0x1d: {  	s17 =	sadd.s32 @!p1 s2, s17;
	s18 =	sand.u32 @!p1 $0x7, s8;
	s16 =	sshrl.u32 @!p1 s16, $0x3  }
0x1e: {  	s15 =	sand.u32 @!p1 $0x7FC0, s15;
	s16 =	sadd.s32 @!p1 s16, s17;
	s17 =	sshll.u32 @!p1 s18, $0x12  }
0x1f: {  	s15 =	sadd.s32 @!p1 s15, s16;
	s16 =	sor.u32 @!p1 $0x400, s17;
	s17 =	simm.s32 @!p1 $0x1000  }
0x20: {  	[tilespmem:s14], [sflag:$0x1] =	stream.strided.gather @!p1 [hbm4b:s15+s16], $0x4000, s17, s16, $0x38;
	[tilespmem:$0x10100] =	vst v63  }
0x21: {  	p1 =	seq.s32 s7, $0x0  }
0x22: {  	p2 =	seq.s32 @!p1 s7, $0x21  }
0x23: {  	p1 =	por p1, p2  }
.Ltmp2:
0x24: {  	_ = 	snop;
	(pc) =	sbr.rel @p1 .LBB1_5-.Ltmp2, $1  }
0x25: {  	_ =	sdelay $0x3  }
0x26: {  	s14 =	simm.s32 $0x1  }
0x27: {  	_ =	swait.ge [sflag:s4], $0x4000;
	s14 =	simm.s32 @!p0 $0x0  }
0x28: {  	[sflag:s4] =	ssyncset.done $0x0;
	s15 =	sshll.u32 s14, $0xE  }
0x29: {  	[sflag:s4] =	ssyncadd.s32 $0xFFFFC000;
	s16 =	sor.u32 $0x40, s15  }
0x2a: {  	s14 =	smul.u32 $0x10200, s14;
	v0 =	vld [tilespmem:s16+$0x30]  }
0x2b: {  	v3 =	vld [tilespmem:s16+$0xFFFFFFD0]  }
0x2c: {  	s14 =	sshrl.u32 s14, $0x2;
	v4 =	vld [tilespmem:s16+$0xFFFFFFE0]  }
0x2d: {  	v5 =	vld [tilespmem:s16+$0xFFFFFFF0];
	s15 =	sor.u32 $0x8000, s14  }
0x2e: {  	s31 =	sand.u32 $0x1, s7;
	v1 =	vld [tilespmem:s16+$0x0];
	s17 =	sadd.s32 $0x0, s15  }
0x2f: {  	v2 =	vld [tilespmem:s16+$0x10];
	s14 =	smul.u32 $0x10200, s31;
	[tilespmem:s17+$0x3870 ss:$0x81] =	vst.msk $0xffff, v0  }
0x30: {  	[tilespmem:s17+$0x810 ss:$0x81] =	vst.msk $0xffff, v3;
	v3 =	vld [tilespmem:s16+$0x20]  }
0x31: {  	s14 =	sshrl.u32 s14, $0x2;
	v0 =	vld [tilespmem:s16+$0xFFFFFFC0];
	[tilespmem:s17+$0x1020 ss:$0x81] =	vst.msk $0xffff, v4;
	s16 =	sadd.s32 $0x80, s16  }
0x32: {  	s18 =	simm.s32 $0x4;
	s19 =	simm.s32 $0x8;
	s14 =	sor.u32 $0x8000, s14;
	[tilespmem:s17+$0x1830 ss:$0x81] =	vst.msk $0xffff, v5;
	v4 =	vld [tilespmem:s16+$0x30]  }
.LBB1_3:
0x33: {  	p1 =	sne.s32 s19, $0x1FC;
	v5 =	vld [tilespmem:s16+$0xFFFFFFD0];
	[tilespmem:s17+$0x2040 ss:$0x81] =	vst.msk $0xffff, v1  }
0x34: {  	v6 =	vld [tilespmem:s16+$0xFFFFFFE0];
	[tilespmem:s17+$0x2850 ss:$0x81] =	vst.msk $0xffff, v2  }
0x35: {  	s20 =	sshra.s32 s18, $0x2;
	s18 =	smov.u32 s19;
	v7 =	vld [tilespmem:s16+$0xFFFFFFF0];
	[tilespmem:s17+$0x3060 ss:$0x81] =	vst.msk $0xffff, v3  }
.Ltmp3:
0x36: {  	v1 =	vld [tilespmem:s16+$0x0];
	[tilespmem:s17+$0x0 ss:$0x81] =	vst.msk $0xffff, v0;
	s17 =	sadd.s32 s20, s15;
	(pc) =	sbr.rel @p1 .LBB1_3-.Ltmp3, $4  }
0x37: {  	v2 =	vld [tilespmem:s16+$0x10];
	[tilespmem:s17+$0x3870 ss:$0x81] =	vst.msk $0xffff, v4  }
0x38: {  	[tilespmem:s17+$0x810 ss:$0x81] =	vst.msk $0xffff, v5;
	v3 =	vld [tilespmem:s16+$0x20]  }
0x39: {  	v0 =	vld [tilespmem:s16+$0xFFFFFFC0];
	[tilespmem:s17+$0x1020 ss:$0x81] =	vst.msk $0xffff, v6;
	s16 =	sadd.s32 $0x80, s16  }
0x3a: {  	s19 =	sadd.s32 $0x4, s19;
	v4 =	vld [tilespmem:s16+$0x30];
	[tilespmem:s17+$0x1830 ss:$0x81] =	vst.msk $0xffff, v7  }
0x3b: {  	v5 =	vld [tilespmem:s16+$0xFFFFFFD0];
	[tilespmem:s17+$0x2040 ss:$0x81] =	vst.msk $0xffff, v1  }
0x3c: {  	v58 =	vld [tilespmem:s16+$0xFFFFFFE0];
	[tilespmem:s17+$0x2850 ss:$0x81] =	vst.msk $0xffff, v2  }
0x3d: {  	s18 =	sshra.s32 s18, $0x2;
	v59 =	vld [tilespmem:s16+$0xFFFFFFF0];
	[tilespmem:s17+$0x3060 ss:$0x81] =	vst.msk $0xffff, v3  }
0x3e: {  	v60 =	vld [tilespmem:s16+$0x0];
	s15 =	sadd.s32 s18, s15;
	[tilespmem:s17+$0x0 ss:$0x81] =	vst.msk $0xffff, v0  }
0x3f: {  	v61 =	vld [tilespmem:s16+$0x10];
	s25 =	sshll.u32 s13, $0x9;
	s26 =	sshll.u32 s11, $0x3;
	[tilespmem:s15+$0x3870 ss:$0x81] =	vst.msk $0xffff, v4  }
0x40: {  	v62 =	vld [tilespmem:s16+$0x20];
	s27 =	sshll.u32 s13, $0x7;
	s30 =	sand.u32 $0x78, s11;
	s12 =	sshll.u32 s12, $0xF;
	[tilespmem:s15+$0x810 ss:$0x81] =	vst.msk $0xffff, v5  }
0x41: {  	v63 =	vld [tilespmem:s16+$0xFFFFFFC0];
	s31 =	sand.u32 $0x7, s11;
	s18 =	sand.u32 $0x3FC00, s26;
	s17 =	sand.u32 $0x3F000, s25;
	[tilespmem:s15+$0x1020 ss:$0x81] =	vst.msk $0xffff, v58  }
0x42: {  	s29 =	sand.u32 $0x200, s27;
	s13 =	sand.u32 $0x180, s27;
	s28 =	sadd.s32 s18, s17;
	[tilespmem:s15+$0x1830 ss:$0x81] =	vst.msk $0xffff, v59  }
.Ltmp4:
0x43: {  	s13 =	sor.u32 s30, s13;
	s16 =	sor.u32 s29, s28;
	[tilespmem:s15+$0x2040 ss:$0x81] =	vst.msk $0xffff, v60;
	(pc) =	sbr.rel .LBB1_5-.Ltmp4, $4  }
0x44: {  	s12 =	sadd.s32 s3, s12;
	s13 =	sshrl.u32 s13, $0x3;
	[tilespmem:s15+$0x2850 ss:$0x81] =	vst.msk $0xffff, v61;
	s16 =	sshrl.u32 s16, $0x3  }
0x45: {  	s11 =	sshll.u32 s31, $0x12;
	s12 =	sadd.s32 s13, s12;
	[tilespmem:s15+$0x3060 ss:$0x81] =	vst.msk $0xffff, v62;
	s16 =	sand.u32 $0x7FC0, s16  }
0x46: {  	s11 =	sor.u32 $0x400, s11;
	[tilespmem:s15+$0x0 ss:$0x81] =	vst.msk $0xffff, v63;
	s12 =	sadd.s32 s16, s12  }
0x47: {  	[hbm4b:s12+s11] =	stream.strided.scatter [tilespmem:s14], [sflag:$0x2], $0x4000, s6, s11, $0x20;
	[tilespmem:$0x10100] =	vst v63  }
.LBB1_6:
0x48: {  	_ =	sfence.sel $0x180000  }
0x49: {  	s2 =	simm.s32 $0x1;
	[bflag:$0x0] =	sbarrier.arrive $0xFFFF  }
0x4a: {  	s31 =	simm.s32 $0x2;
	[sflag:s2] =	ssyncpa.u1 $0x1  }
0x4b: {  	[sflag:s31] =	ssyncpa.u1 $0x1  }
0x4c: {  	p0 =	sne.s32 s1, $0x0;
	_ =	strace $0x9000004D  }
0x4d: {  	s0 =	sadd.s32 @!p0 $0x100000, s0;
	[bflag:$0x2] =	sbarrier.arrive $0xFFFF  }
0x4e: {  	[sflag:s0] =	ssyncadd.tile.s32 @!p0 $0x1;
	_ =	shalt  }
.Lfunc_end1:
_tile_overlayer_lowered:
.L_overlay_start_2:
0x4f: {  	(tag) =	ssettag $0x2  }
0x50: {  	s0 =	rddreg [dreg:$0x0];
	s2 =	stileid.u32  }
0x51: {  	s1 =	rddreg [dreg:$0x1];
	p0 =	sne.s32 s2, $0x0  }
0x52: {  	s3 =	rddreg [dreg:$0x2];
	[bflag:$0x3] =	sbarrier.arrive $0xFFFF;
	s2 =	simm.s32 @!p0 $0x1C01  }
0x53: {  	[timem:s3], [sflag:s2] =	dma.local @!p0 [hbm:s0], s1  }
0x54: {  	s0 =	simm.s32 @!p0 $0x1  }
0x55: {  	_ =	swait.ge @!p0 [sflag:s0], s1  }
0x56: {  	s1 =	ssub.s32 @!p0 $0x0, s1;
	[sflag:s0] =	ssyncset.done @!p0 $0x0  }
0x57: {  	[sflag:s0] =	ssyncadd.s32 @!p0 s1  }
0x58: {  	[bflag:$0x3] =	sbarrier.arrive $0xFFFF  }
0x59: {  	_ =	shalt  }

</sc_bundles>
